<compile_context>
chip_gen: v7x
topology: tpu7x:2x2x1
jax: 0.10.2.dev20260603
libtpu: 0.0.44.dev20260713+nightly
codegen_flags: <defaults>
</compile_context>

<pallas_src>
import functools

import jax
import jax.numpy as jnp
from jax import lax
from jax.experimental import pallas as pl
from jax.experimental.pallas import tpu as pltpu
from jax.experimental.pallas import tpu_sc as plsc

_K = 1024
_COMMITMENT_COST = 0.25


def _argmin_chain(zb, cb):
    scores = jax.lax.dot_general(
        cb, zb, (((1,), (0,)), ((), ())),
        preferred_element_type=jnp.float32)
    c2 = jnp.sum(cb * cb, axis=1, keepdims=True)
    z2 = jnp.sum(zb * zb, axis=0, keepdims=True)
    dists = (z2 - 2.0 * scores) + c2

    minv = jnp.min(dists, axis=0, keepdims=True)
    rows = jax.lax.broadcasted_iota(jnp.int32, dists.shape, 0)
    idx = jnp.min(jnp.where(dists == minv, rows, _K),
                  axis=0, keepdims=True)
    return idx, jnp.sum(minv)


def _argmin_kernel(n_split, z_ref, cb_ref, idx_ref, sse_ref):
    cb = cb_ref[...]
    ts = z_ref.shape[2] // n_split
    tile_sse = 0.0
    for i in range(n_split):
        sl = pl.ds(i * ts, ts)
        idx, sse = _argmin_chain(z_ref[0, :, sl], cb)
        idx_ref[0, 0, :, sl] = idx
        tile_sse += sse

    @pl.when(jnp.logical_and(pl.program_id(0) == 0, pl.program_id(1) == 0))
    def _init():
        sse_ref[0, 0] = 0.0

    sse_ref[0, 0] += tile_sse


def _make_sc_gather(n, d, n_chunks):
    info = plsc.get_sparse_core_info()
    nw = info.num_cores * info.num_subcores
    b_per_w = n // nw
    bc = b_per_w // n_chunks
    mesh = plsc.VectorSubcoreMesh(core_axis_name="c", subcore_axis_name="s")

    @functools.partial(
        pl.kernel, mesh=mesh,
        out_type=jax.ShapeDtypeStruct((n, d), jnp.float32),
        scratch_types=[
            pltpu.VMEM((bc,), jnp.int32),
            pltpu.VMEM((bc, d), jnp.float32),
            pltpu.SemaphoreType.DMA,
        ],
    )
    def gather_k(table_hbm, idx_hbm, out_hbm, idx_v, rows_v, sem):
        wid = lax.axis_index("s") * info.num_cores + lax.axis_index("c")
        base = wid * b_per_w
        for c in range(n_chunks):
            off = base + c * bc
            pltpu.sync_copy(idx_hbm.at[pl.ds(off, bc)], idx_v)
            pltpu.async_copy(table_hbm.at[idx_v], rows_v, sem).wait()
            pltpu.sync_copy(rows_v, out_hbm.at[pl.ds(off, bc)])

    return gather_k


@functools.partial(jax.jit, static_argnames=("tile_s", "n_split"))
def _vq(z, codebook, tile_s=2048, n_split=2):
    B, D, d, h, w = z.shape
    S = d * h * w
    N = B * S
    ns = S // tile_s
    zr = z.reshape(B, D, S)

    idx, sse = pl.pallas_call(
        functools.partial(_argmin_kernel, n_split),
        grid=(B, ns),
        in_specs=[
            pl.BlockSpec((1, D, tile_s), lambda b, s: (b, 0, s)),
            pl.BlockSpec((_K, D), lambda b, s: (0, 0)),
        ],
        out_specs=[
            pl.BlockSpec((1, 1, 1, tile_s), lambda b, s: (b, s, 0, 0)),
            pl.BlockSpec(memory_space=pltpu.SMEM),
        ],
        out_shape=[
            jax.ShapeDtypeStruct((B, ns, 1, tile_s), jnp.int32),
            jax.ShapeDtypeStruct((1, 1), jnp.float32),
        ],
    )(zr, codebook)

    idx_flat = idx.reshape(N)
    cb_pad = jnp.pad(codebook, ((0, 0), (0, 128 - D)))
    zq_rows = _make_sc_gather(N, 128, 4)(cb_pad, idx_flat)

    zq = zq_rows.reshape(B, d, h, w, 128)[..., :D].transpose(0, 4, 1, 2, 3)
    loss = sse[0, 0] * (1.0 + _COMMITMENT_COST) / z.size
    return (zq, loss, idx.reshape(B, d, h, w))


def kernel(z, codebook):
    return _vq(z, codebook)

# --- scband reference (transcript-rebuilt; emitter-appended) ---
"""Pipeline reference for scband-vector-quantizer-51556787421368 (READ-ONLY COPY).

The authoritative reference and input builder live on the scoring server;
editing this copy changes nothing except your own understanding.
"""

import jax, jax.numpy as jnp
import numpy as np

K = 1024
D = 64
COMMITMENT_COST = 0.25


def setup_inputs(seed: int = 0) -> dict:
    key = jax.random.key(seed)
    k1, k2 = jax.random.split(key)
    z = jax.random.normal(k1, (4, D, 16, 32, 32), dtype=jnp.float32)
    codebook = jax.random.uniform(k2, (K, D), dtype=jnp.float32, minval=-1.0 / K, maxval=1.0 / K)
    return {"z": z, "codebook": codebook}


def reference(z, codebook):
    B, Dm, d, h, w = z.shape
    z_flat = jnp.transpose(z, (0, 2, 3, 4, 1)).reshape(-1, Dm)
    dists = (
        jnp.sum(z_flat ** 2, axis=1, keepdims=True)
        - 2.0 * (z_flat @ codebook.T)
        + jnp.sum(codebook ** 2, axis=1)
    )
    indices = jnp.argmin(dists, axis=1)
    z_q = jnp.take(codebook, indices, axis=0).reshape(B, d, h, w, Dm)
    z_q = jnp.transpose(z_q, (0, 4, 1, 2, 3))
    codebook_loss = jnp.mean((z_q - jax.lax.stop_gradient(z)) ** 2)
    commitment_loss = jnp.mean((jax.lax.stop_gradient(z_q) - z) ** 2)
    loss = codebook_loss + COMMITMENT_COST * commitment_loss
    z_q_st = z + jax.lax.stop_gradient(z_q - z)
    return (z_q_st, loss, indices.reshape(B, d, h, w))

if __name__ == "__main__":
    import jax
    _d = setup_inputs()
    print(jax.jit(kernel)(*tuple(_d.values())))

</pallas_src>

<mosaic_0001>
#map = affine_map<(d0, d1) -> (0, 0)>
#map1 = affine_map<(d0, d1) -> (0)>
module attributes {stable_mosaic.version = 14 : i64} {
  func.func @gather_k(%arg0: i32, %arg1: i32, %arg2: memref<1024x128xf32, #tpu.memory_space<hbm>>, %arg3: memref<65536xi32, #tpu.memory_space<hbm>>, %arg4: memref<65536x128xf32, #tpu.memory_space<hbm>>, %arg5: memref<512xi32, #tpu.memory_space<vmem>>, %arg6: memref<512x128xf32, #tpu.memory_space<vmem>>, %arg7: memref<!tpu.dma_semaphore, #tpu.memory_space<semaphore_mem>>) attributes {dimension_semantics = [#tpu.dimension_semantics<core_parallel>, #tpu.dimension_semantics<subcore_parallel>], iteration_bounds = array<i64: 2, 16>, scalar_prefetch = 0 : i64, scratch_operands = 3 : i64, tpu.core_type = #tpu.core_type<sc_vector_subcore>, window_params = [{transform_indices = #map}, {transform_indices = #map1}, {transform_indices = #map}]} {
    %mul3A = arith.constant 2 : i32
    %mul3A_0 = arith.muli %arg1, %mul3A : i32
    %add3A = arith.addi %mul3A_0, %arg0 : i32
    %mul3A_1 = arith.constant 2048 : i32
    %mul3A_2 = arith.muli %add3A, %mul3A_1 : i32
    %add3A_3 = arith.constant 0 : i32
    %add3A_4 = arith.addi %mul3A_2, %add3A_3 : i32
    "tpu.region"() ({
      %run_scoped3A = tpu.sem_alloc : memref<!tpu.dma_semaphore, #tpu.memory_space<semaphore_mem>>
      %dma_start3A_33 = tpu.memref_slice %arg3[%add3A_4] : memref<65536xi32, #tpu.memory_space<hbm>> -> memref<512xi32, #tpu.memory_space<hbm>>
      %dma_start3A_34 = tpu.memref_slice %arg3[%add3A_4] : memref<65536xi32, #tpu.memory_space<hbm>> -> memref<512xi32, #tpu.memory_space<hbm>>
      tpu.enqueue_dma source(%dma_start3A_34 : memref<512xi32, #tpu.memory_space<hbm>>) target(%arg5 : memref<512xi32, #tpu.memory_space<vmem>>) target_semaphore(%run_scoped3A : memref<!tpu.dma_semaphore, #tpu.memory_space<semaphore_mem>>)
      %dma_wait3A_35 = tpu.memref_slice %arg3[%add3A_4] : memref<65536xi32, #tpu.memory_space<hbm>> -> memref<512xi32, #tpu.memory_space<hbm>>
      %dma_wait3A_36 = tpu.memref_slice %arg3[%add3A_4] : memref<65536xi32, #tpu.memory_space<hbm>> -> memref<512xi32, #tpu.memory_space<hbm>>
      tpu.wait_dma2 semaphore(%run_scoped3A : memref<!tpu.dma_semaphore, #tpu.memory_space<semaphore_mem>>) src(%dma_wait3A_36 : memref<512xi32, #tpu.memory_space<hbm>>) dst(%arg5 : memref<512xi32, #tpu.memory_space<vmem>>)
      tpu.yield
    }) : () -> ()
    %dma_start3A = arith.constant 0 : i32
    %dma_start3A_5 = arith.constant 0 : i32
    %dma_start3A_6 = tpu.memref_slice %arg2[%dma_start3A, %dma_start3A_5] : memref<1024x128xf32, #tpu.memory_space<hbm>> -> memref<1024x128xf32, #tpu.memory_space<hbm>>
    tpu.enqueue_indirect_dma source(%dma_start3A_6 : memref<1024x128xf32, #tpu.memory_space<hbm>>) target(%arg6 : memref<512x128xf32, #tpu.memory_space<vmem>>) offsets(%arg5 : memref<512xi32, #tpu.memory_space<vmem>>) semaphore(%arg7 : memref<!tpu.dma_semaphore, #tpu.memory_space<semaphore_mem>>)
    %dma_wait3A = arith.constant 0 : i32
    %dma_wait3A_7 = arith.constant 0 : i32
    %dma_wait3A_8 = tpu.memref_slice %arg2[%dma_wait3A, %dma_wait3A_7] : memref<1024x128xf32, #tpu.memory_space<hbm>> -> memref<1024x128xf32, #tpu.memory_space<hbm>>
    tpu.wait_indirect_dma semaphore(%arg7 : memref<!tpu.dma_semaphore, #tpu.memory_space<semaphore_mem>>) src(%dma_wait3A_8 : memref<1024x128xf32, #tpu.memory_space<hbm>>) dst(%arg6 : memref<512x128xf32, #tpu.memory_space<vmem>>)
    "tpu.region"() ({
      %run_scoped3A = tpu.sem_alloc : memref<!tpu.dma_semaphore, #tpu.memory_space<semaphore_mem>>
      %dma_start3A_33 = arith.constant 0 : i32
      %dma_start3A_34 = tpu.memref_slice %arg4[%add3A_4, %dma_start3A_33] : memref<65536x128xf32, #tpu.memory_space<hbm>> -> memref<512x128xf32, #tpu.memory_space<hbm>>
      %dma_start3A_35 = arith.constant 0 : i32
      %dma_start3A_36 = tpu.memref_slice %arg4[%add3A_4, %dma_start3A_35] : memref<65536x128xf32, #tpu.memory_space<hbm>> -> memref<512x128xf32, #tpu.memory_space<hbm>>
      tpu.enqueue_dma source(%arg6 : memref<512x128xf32, #tpu.memory_space<vmem>>) target(%dma_start3A_36 : memref<512x128xf32, #tpu.memory_space<hbm>>) target_semaphore(%run_scoped3A : memref<!tpu.dma_semaphore, #tpu.memory_space<semaphore_mem>>)
      %dma_wait3A_37 = arith.constant 0 : i32
      %dma_wait3A_38 = tpu.memref_slice %arg4[%add3A_4, %dma_wait3A_37] : memref<65536x128xf32, #tpu.memory_space<hbm>> -> memref<512x128xf32, #tpu.memory_space<hbm>>
      %dma_wait3A_39 = arith.constant 0 : i32
      %dma_wait3A_40 = tpu.memref_slice %arg4[%add3A_4, %dma_wait3A_39] : memref<65536x128xf32, #tpu.memory_space<hbm>> -> memref<512x128xf32, #tpu.memory_space<hbm>>
      tpu.wait_dma2 semaphore(%run_scoped3A : memref<!tpu.dma_semaphore, #tpu.memory_space<semaphore_mem>>) src(%arg6 : memref<512x128xf32, #tpu.memory_space<vmem>>) dst(%dma_wait3A_40 : memref<512x128xf32, #tpu.memory_space<hbm>>)
      tpu.yield
    }) : () -> ()
    %add3A_9 = arith.constant 512 : i32
    %add3A_10 = arith.addi %mul3A_2, %add3A_9 : i32
    "tpu.region"() ({
      %run_scoped3A = tpu.sem_alloc : memref<!tpu.dma_semaphore, #tpu.memory_space<semaphore_mem>>
      %dma_start3A_33 = tpu.memref_slice %arg3[%add3A_10] : memref<65536xi32, #tpu.memory_space<hbm>> -> memref<512xi32, #tpu.memory_space<hbm>>
      %dma_start3A_34 = tpu.memref_slice %arg3[%add3A_10] : memref<65536xi32, #tpu.memory_space<hbm>> -> memref<512xi32, #tpu.memory_space<hbm>>
      tpu.enqueue_dma source(%dma_start3A_34 : memref<512xi32, #tpu.memory_space<hbm>>) target(%arg5 : memref<512xi32, #tpu.memory_space<vmem>>) target_semaphore(%run_scoped3A : memref<!tpu.dma_semaphore, #tpu.memory_space<semaphore_mem>>)
      %dma_wait3A_35 = tpu.memref_slice %arg3[%add3A_10] : memref<65536xi32, #tpu.memory_space<hbm>> -> memref<512xi32, #tpu.memory_space<hbm>>
      %dma_wait3A_36 = tpu.memref_slice %arg3[%add3A_10] : memref<65536xi32, #tpu.memory_space<hbm>> -> memref<512xi32, #tpu.memory_space<hbm>>
      tpu.wait_dma2 semaphore(%run_scoped3A : memref<!tpu.dma_semaphore, #tpu.memory_space<semaphore_mem>>) src(%dma_wait3A_36 : memref<512xi32, #tpu.memory_space<hbm>>) dst(%arg5 : memref<512xi32, #tpu.memory_space<vmem>>)
      tpu.yield
    }) : () -> ()
    %dma_start3A_11 = arith.constant 0 : i32
    %dma_start3A_12 = arith.constant 0 : i32
    %dma_start3A_13 = tpu.memref_slice %arg2[%dma_start3A_11, %dma_start3A_12] : memref<1024x128xf32, #tpu.memory_space<hbm>> -> memref<1024x128xf32, #tpu.memory_space<hbm>>
    tpu.enqueue_indirect_dma source(%dma_start3A_13 : memref<1024x128xf32, #tpu.memory_space<hbm>>) target(%arg6 : memref<512x128xf32, #tpu.memory_space<vmem>>) offsets(%arg5 : memref<512xi32, #tpu.memory_space<vmem>>) semaphore(%arg7 : memref<!tpu.dma_semaphore, #tpu.memory_space<semaphore_mem>>)
    %dma_wait3A_14 = arith.constant 0 : i32
    %dma_wait3A_15 = arith.constant 0 : i32
    %dma_wait3A_16 = tpu.memref_slice %arg2[%dma_wait3A_14, %dma_wait3A_15] : memref<1024x128xf32, #tpu.memory_space<hbm>> -> memref<1024x128xf32, #tpu.memory_space<hbm>>
    tpu.wait_indirect_dma semaphore(%arg7 : memref<!tpu.dma_semaphore, #tpu.memory_space<semaphore_mem>>) src(%dma_wait3A_16 : memref<1024x128xf32, #tpu.memory_space<hbm>>) dst(%arg6 : memref<512x128xf32, #tpu.memory_space<vmem>>)
    "tpu.region"() ({
      %run_scoped3A = tpu.sem_alloc : memref<!tpu.dma_semaphore, #tpu.memory_space<semaphore_mem>>
      %dma_start3A_33 = arith.constant 0 : i32
      %dma_start3A_34 = tpu.memref_slice %arg4[%add3A_10, %dma_start3A_33] : memref<65536x128xf32, #tpu.memory_space<hbm>> -> memref<512x128xf32, #tpu.memory_space<hbm>>
      %dma_start3A_35 = arith.constant 0 : i32
      %dma_start3A_36 = tpu.memref_slice %arg4[%add3A_10, %dma_start3A_35] : memref<65536x128xf32, #tpu.memory_space<hbm>> -> memref<512x128xf32, #tpu.memory_space<hbm>>
      tpu.enqueue_dma source(%arg6 : memref<512x128xf32, #tpu.memory_space<vmem>>) target(%dma_start3A_36 : memref<512x128xf32, #tpu.memory_space<hbm>>) target_semaphore(%run_scoped3A : memref<!tpu.dma_semaphore, #tpu.memory_space<semaphore_mem>>)
      %dma_wait3A_37 = arith.constant 0 : i32
      %dma_wait3A_38 = tpu.memref_slice %arg4[%add3A_10, %dma_wait3A_37] : memref<65536x128xf32, #tpu.memory_space<hbm>> -> memref<512x128xf32, #tpu.memory_space<hbm>>
      %dma_wait3A_39 = arith.constant 0 : i32
      %dma_wait3A_40 = tpu.memref_slice %arg4[%add3A_10, %dma_wait3A_39] : memref<65536x128xf32, #tpu.memory_space<hbm>> -> memref<512x128xf32, #tpu.memory_space<hbm>>
      tpu.wait_dma2 semaphore(%run_scoped3A : memref<!tpu.dma_semaphore, #tpu.memory_space<semaphore_mem>>) src(%arg6 : memref<512x128xf32, #tpu.memory_space<vmem>>) dst(%dma_wait3A_40 : memref<512x128xf32, #tpu.memory_space<hbm>>)
      tpu.yield
    }) : () -> ()
    %add3A_17 = arith.constant 1024 : i32
    %add3A_18 = arith.addi %mul3A_2, %add3A_17 : i32
    "tpu.region"() ({
      %run_scoped3A = tpu.sem_alloc : memref<!tpu.dma_semaphore, #tpu.memory_space<semaphore_mem>>
      %dma_start3A_33 = tpu.memref_slice %arg3[%add3A_18] : memref<65536xi32, #tpu.memory_space<hbm>> -> memref<512xi32, #tpu.memory_space<hbm>>
      %dma_start3A_34 = tpu.memref_slice %arg3[%add3A_18] : memref<65536xi32, #tpu.memory_space<hbm>> -> memref<512xi32, #tpu.memory_space<hbm>>
      tpu.enqueue_dma source(%dma_start3A_34 : memref<512xi32, #tpu.memory_space<hbm>>) target(%arg5 : memref<512xi32, #tpu.memory_space<vmem>>) target_semaphore(%run_scoped3A : memref<!tpu.dma_semaphore, #tpu.memory_space<semaphore_mem>>)
      %dma_wait3A_35 = tpu.memref_slice %arg3[%add3A_18] : memref<65536xi32, #tpu.memory_space<hbm>> -> memref<512xi32, #tpu.memory_space<hbm>>
      %dma_wait3A_36 = tpu.memref_slice %arg3[%add3A_18] : memref<65536xi32, #tpu.memory_space<hbm>> -> memref<512xi32, #tpu.memory_space<hbm>>
      tpu.wait_dma2 semaphore(%run_scoped3A : memref<!tpu.dma_semaphore, #tpu.memory_space<semaphore_mem>>) src(%dma_wait3A_36 : memref<512xi32, #tpu.memory_space<hbm>>) dst(%arg5 : memref<512xi32, #tpu.memory_space<vmem>>)
      tpu.yield
    }) : () -> ()
    %dma_start3A_19 = arith.constant 0 : i32
    %dma_start3A_20 = arith.constant 0 : i32
    %dma_start3A_21 = tpu.memref_slice %arg2[%dma_start3A_19, %dma_start3A_20] : memref<1024x128xf32, #tpu.memory_space<hbm>> -> memref<1024x128xf32, #tpu.memory_space<hbm>>
    tpu.enqueue_indirect_dma source(%dma_start3A_21 : memref<1024x128xf32, #tpu.memory_space<hbm>>) target(%arg6 : memref<512x128xf32, #tpu.memory_space<vmem>>) offsets(%arg5 : memref<512xi32, #tpu.memory_space<vmem>>) semaphore(%arg7 : memref<!tpu.dma_semaphore, #tpu.memory_space<semaphore_mem>>)
    %dma_wait3A_22 = arith.constant 0 : i32
    %dma_wait3A_23 = arith.constant 0 : i32
    %dma_wait3A_24 = tpu.memref_slice %arg2[%dma_wait3A_22, %dma_wait3A_23] : memref<1024x128xf32, #tpu.memory_space<hbm>> -> memref<1024x128xf32, #tpu.memory_space<hbm>>
    tpu.wait_indirect_dma semaphore(%arg7 : memref<!tpu.dma_semaphore, #tpu.memory_space<semaphore_mem>>) src(%dma_wait3A_24 : memref<1024x128xf32, #tpu.memory_space<hbm>>) dst(%arg6 : memref<512x128xf32, #tpu.memory_space<vmem>>)
    "tpu.region"() ({
      %run_scoped3A = tpu.sem_alloc : memref<!tpu.dma_semaphore, #tpu.memory_space<semaphore_mem>>
      %dma_start3A_33 = arith.constant 0 : i32
      %dma_start3A_34 = tpu.memref_slice %arg4[%add3A_18, %dma_start3A_33] : memref<65536x128xf32, #tpu.memory_space<hbm>> -> memref<512x128xf32, #tpu.memory_space<hbm>>
      %dma_start3A_35 = arith.constant 0 : i32
      %dma_start3A_36 = tpu.memref_slice %arg4[%add3A_18, %dma_start3A_35] : memref<65536x128xf32, #tpu.memory_space<hbm>> -> memref<512x128xf32, #tpu.memory_space<hbm>>
      tpu.enqueue_dma source(%arg6 : memref<512x128xf32, #tpu.memory_space<vmem>>) target(%dma_start3A_36 : memref<512x128xf32, #tpu.memory_space<hbm>>) target_semaphore(%run_scoped3A : memref<!tpu.dma_semaphore, #tpu.memory_space<semaphore_mem>>)
      %dma_wait3A_37 = arith.constant 0 : i32
      %dma_wait3A_38 = tpu.memref_slice %arg4[%add3A_18, %dma_wait3A_37] : memref<65536x128xf32, #tpu.memory_space<hbm>> -> memref<512x128xf32, #tpu.memory_space<hbm>>
      %dma_wait3A_39 = arith.constant 0 : i32
      %dma_wait3A_40 = tpu.memref_slice %arg4[%add3A_18, %dma_wait3A_39] : memref<65536x128xf32, #tpu.memory_space<hbm>> -> memref<512x128xf32, #tpu.memory_space<hbm>>
      tpu.wait_dma2 semaphore(%run_scoped3A : memref<!tpu.dma_semaphore, #tpu.memory_space<semaphore_mem>>) src(%arg6 : memref<512x128xf32, #tpu.memory_space<vmem>>) dst(%dma_wait3A_40 : memref<512x128xf32, #tpu.memory_space<hbm>>)
      tpu.yield
    }) : () -> ()
    %add3A_25 = arith.constant 1536 : i32
    %add3A_26 = arith.addi %mul3A_2, %add3A_25 : i32
    "tpu.region"() ({
      %run_scoped3A = tpu.sem_alloc : memref<!tpu.dma_semaphore, #tpu.memory_space<semaphore_mem>>
      %dma_start3A_33 = tpu.memref_slice %arg3[%add3A_26] : memref<65536xi32, #tpu.memory_space<hbm>> -> memref<512xi32, #tpu.memory_space<hbm>>
      %dma_start3A_34 = tpu.memref_slice %arg3[%add3A_26] : memref<65536xi32, #tpu.memory_space<hbm>> -> memref<512xi32, #tpu.memory_space<hbm>>
      tpu.enqueue_dma source(%dma_start3A_34 : memref<512xi32, #tpu.memory_space<hbm>>) target(%arg5 : memref<512xi32, #tpu.memory_space<vmem>>) target_semaphore(%run_scoped3A : memref<!tpu.dma_semaphore, #tpu.memory_space<semaphore_mem>>)
      %dma_wait3A_35 = tpu.memref_slice %arg3[%add3A_26] : memref<65536xi32, #tpu.memory_space<hbm>> -> memref<512xi32, #tpu.memory_space<hbm>>
      %dma_wait3A_36 = tpu.memref_slice %arg3[%add3A_26] : memref<65536xi32, #tpu.memory_space<hbm>> -> memref<512xi32, #tpu.memory_space<hbm>>
      tpu.wait_dma2 semaphore(%run_scoped3A : memref<!tpu.dma_semaphore, #tpu.memory_space<semaphore_mem>>) src(%dma_wait3A_36 : memref<512xi32, #tpu.memory_space<hbm>>) dst(%arg5 : memref<512xi32, #tpu.memory_space<vmem>>)
      tpu.yield
    }) : () -> ()
    %dma_start3A_27 = arith.constant 0 : i32
    %dma_start3A_28 = arith.constant 0 : i32
    %dma_start3A_29 = tpu.memref_slice %arg2[%dma_start3A_27, %dma_start3A_28] : memref<1024x128xf32, #tpu.memory_space<hbm>> -> memref<1024x128xf32, #tpu.memory_space<hbm>>
    tpu.enqueue_indirect_dma source(%dma_start3A_29 : memref<1024x128xf32, #tpu.memory_space<hbm>>) target(%arg6 : memref<512x128xf32, #tpu.memory_space<vmem>>) offsets(%arg5 : memref<512xi32, #tpu.memory_space<vmem>>) semaphore(%arg7 : memref<!tpu.dma_semaphore, #tpu.memory_space<semaphore_mem>>)
    %dma_wait3A_30 = arith.constant 0 : i32
    %dma_wait3A_31 = arith.constant 0 : i32
    %dma_wait3A_32 = tpu.memref_slice %arg2[%dma_wait3A_30, %dma_wait3A_31] : memref<1024x128xf32, #tpu.memory_space<hbm>> -> memref<1024x128xf32, #tpu.memory_space<hbm>>
    tpu.wait_indirect_dma semaphore(%arg7 : memref<!tpu.dma_semaphore, #tpu.memory_space<semaphore_mem>>) src(%dma_wait3A_32 : memref<1024x128xf32, #tpu.memory_space<hbm>>) dst(%arg6 : memref<512x128xf32, #tpu.memory_space<vmem>>)
    "tpu.region"() ({
      %run_scoped3A = tpu.sem_alloc : memref<!tpu.dma_semaphore, #tpu.memory_space<semaphore_mem>>
      %dma_start3A_33 = arith.constant 0 : i32
      %dma_start3A_34 = tpu.memref_slice %arg4[%add3A_26, %dma_start3A_33] : memref<65536x128xf32, #tpu.memory_space<hbm>> -> memref<512x128xf32, #tpu.memory_space<hbm>>
      %dma_start3A_35 = arith.constant 0 : i32
      %dma_start3A_36 = tpu.memref_slice %arg4[%add3A_26, %dma_start3A_35] : memref<65536x128xf32, #tpu.memory_space<hbm>> -> memref<512x128xf32, #tpu.memory_space<hbm>>
      tpu.enqueue_dma source(%arg6 : memref<512x128xf32, #tpu.memory_space<vmem>>) target(%dma_start3A_36 : memref<512x128xf32, #tpu.memory_space<hbm>>) target_semaphore(%run_scoped3A : memref<!tpu.dma_semaphore, #tpu.memory_space<semaphore_mem>>)
      %dma_wait3A_37 = arith.constant 0 : i32
      %dma_wait3A_38 = tpu.memref_slice %arg4[%add3A_26, %dma_wait3A_37] : memref<65536x128xf32, #tpu.memory_space<hbm>> -> memref<512x128xf32, #tpu.memory_space<hbm>>
      %dma_wait3A_39 = arith.constant 0 : i32
      %dma_wait3A_40 = tpu.memref_slice %arg4[%add3A_26, %dma_wait3A_39] : memref<65536x128xf32, #tpu.memory_space<hbm>> -> memref<512x128xf32, #tpu.memory_space<hbm>>
      tpu.wait_dma2 semaphore(%run_scoped3A : memref<!tpu.dma_semaphore, #tpu.memory_space<semaphore_mem>>) src(%arg6 : memref<512x128xf32, #tpu.memory_space<vmem>>) dst(%dma_wait3A_40 : memref<512x128xf32, #tpu.memory_space<hbm>>)
      tpu.yield
    }) : () -> ()
    return
  }
}

module attributes {stable_mosaic.version = 14 : i64} {
  func.func @_argmin_kernel(%arg0: i32, %arg1: i32, %arg2: memref<1x64x2048xf32, #tpu.memory_space<vmem>>, %arg3: memref<1024x64xf32, #tpu.memory_space<vmem>>, %arg4: memref<1x1x1x2048xi32, #tpu.memory_space<vmem>>, %arg5: memref<1x1xf32, #tpu.memory_space<smem>>) attributes {dimension_semantics = [#tpu.dimension_semantics<arbitrary>, #tpu.dimension_semantics<arbitrary>], iteration_bounds = array<i64: 4, 8>, scalar_prefetch = 0 : i64, scratch_operands = 0 : i64, tpu.core_type = #tpu.core_type<tc>, window_params = [{transform_indices = @transform_0, window_bounds = array<i64: 1, 64, 2048>}, {pipeline_mode = #tpu.pipeline_mode<synchronous>, transform_indices = @transform_1, window_bounds = array<i64: 1024, 64>}, {transform_indices = @transform_2, window_bounds = array<i64: 1, 1, 1, 2048>}, {transform_indices = @transform_3, window_bounds = array<i64: 1, 1>}]} {
    %get3A = arith.constant 0 : index
    %get3A_0 = arith.constant 0 : index
    %get3A_1 = vector.load %arg3[%get3A, %get3A_0] : memref<1024x64xf32, #tpu.memory_space<vmem>>, vector<1024x64xf32>
    %get3A_2 = arith.constant 0 : index
    %get3A_3 = arith.constant 0 : index
    %get3A_4 = arith.constant 0 : index
    %get3A_5 = vector.load %arg2[%get3A_2, %get3A_3, %get3A_4] : memref<1x64x2048xf32, #tpu.memory_space<vmem>>, vector<1x64x1024xf32>
    %get3A_6 = vector.shape_cast %get3A_5 : vector<1x64x1024xf32> to vector<64x1024xf32>
    %dot_general3A = arith.constant dense<0.000000e+00> : vector<1024x1024xf32>
    %dot_general3A_7 = tpu.matmul %get3A_1, %get3A_6, %dot_general3A {dimension_numbers = #tpu.dot_dimension_numbers<[1], [0], [0], [1], [0, 0, 1, 1], [], []>, transpose_lhs_hint = false} : vector<1024x64xf32>, vector<64x1024xf32>, vector<1024x1024xf32> -> vector<1024x1024xf32>
    %mul3A = arith.mulf %get3A_1, %get3A_1 : vector<1024x64xf32>
    %reduce_sum3A = arith.constant dense<0.000000e+00> : vector<1024xf32>
    %reduce_sum3A_8 = vector.multi_reduction <add>, %mul3A, %reduce_sum3A [1] : vector<1024x64xf32> to vector<1024xf32>
    %broadcast_in_dim3A = vector.shape_cast %reduce_sum3A_8 : vector<1024xf32> to vector<1024x1xf32>
    %mul3A_9 = arith.mulf %get3A_6, %get3A_6 : vector<64x1024xf32>
    %reduce_sum3A_10 = arith.constant dense<0.000000e+00> : vector<1024xf32>
    %reduce_sum3A_11 = vector.multi_reduction <add>, %mul3A_9, %reduce_sum3A_10 [0] : vector<64x1024xf32> to vector<1024xf32>
    %broadcast_in_dim3A_12 = vector.shape_cast %reduce_sum3A_11 : vector<1024xf32> to vector<1x1024xf32>
    %mul3A_13 = arith.constant 2.000000e+00 : f32
    %mul3A_14 = vector.broadcast %mul3A_13 : f32 to vector<1024x1024xf32>
    %mul3A_15 = arith.mulf %mul3A_14, %dot_general3A_7 : vector<1024x1024xf32>
    %sub3A = vector.broadcast %broadcast_in_dim3A_12 : vector<1x1024xf32> to vector<1024x1024xf32>
    %sub3A_16 = arith.subf %sub3A, %mul3A_15 : vector<1024x1024xf32>
    %add3A = vector.broadcast %broadcast_in_dim3A : vector<1024x1xf32> to vector<1024x1024xf32>
    %add3A_17 = arith.addf %sub3A_16, %add3A : vector<1024x1024xf32>
    %reduce_min3A = arith.constant dense<0x7F800000> : vector<1024xf32>
    %reduce_min3A_18 = vector.multi_reduction <minimumf>, %add3A_17, %reduce_min3A [0] : vector<1024x1024xf32> to vector<1024xf32>
    %broadcast_in_dim3A_19 = vector.shape_cast %reduce_min3A_18 : vector<1024xf32> to vector<1x1024xf32>
    %iota3A = tpu.iota {dimensions = array<i32: 0>} : vector<1024x1024xi32>
    %eq3A = vector.broadcast %broadcast_in_dim3A_19 : vector<1x1024xf32> to vector<1024x1024xf32>
    %eq3A_20 = arith.cmpf oeq, %add3A_17, %eq3A : vector<1024x1024xf32>
    %jit3A = arith.constant 1024 : i32
    %broadcast_in_dim3A_21 = vector.broadcast %jit3A : i32 to vector<1024x1024xi32>
    %select_n3A = arith.select %eq3A_20, %iota3A, %broadcast_in_dim3A_21 : vector<1024x1024xi1>, vector<1024x1024xi32>
    %reduce_min3A_22 = arith.constant dense<2147483647> : vector<1024xi32>
    %reduce_min3A_23 = vector.multi_reduction <minsi>, %select_n3A, %reduce_min3A_22 [0] : vector<1024x1024xi32> to vector<1024xi32>
    %broadcast_in_dim3A_24 = vector.shape_cast %reduce_min3A_23 : vector<1024xi32> to vector<1x1024xi32>
    %reduce_sum3A_25 = vector.shape_cast %broadcast_in_dim3A_19 : vector<1x1024xf32> to vector<1x1x1024xf32>
    %reduce_sum3A_26 = arith.constant dense<0.000000e+00> : vector<1xf32>
    %reduce_sum3A_27 = vector.multi_reduction <add>, %reduce_sum3A_25, %reduce_sum3A_26 [1, 2] : vector<1x1x1024xf32> to vector<1xf32>
    %reduce_sum3A_28 = vector.shape_cast %reduce_sum3A_27 : vector<1xf32> to vector<1x1x1xf32>
    %reduce_sum3A_29 = vector.extract %reduce_sum3A_28[0, 0, 0] : f32 from vector<1x1x1xf32>
    %swap3A = arith.constant 0 : index
    %swap3A_30 = arith.constant 0 : index
    %swap3A_31 = arith.constant 0 : index
    %swap3A_32 = arith.constant 0 : index
    %swap3A_33 = vector.load %arg4[%swap3A, %swap3A_30, %swap3A_31, %swap3A_32] : memref<1x1x1x2048xi32, #tpu.memory_space<vmem>>, vector<1x1x1x1024xi32>
    %swap3A_34 = vector.shape_cast %swap3A_33 : vector<1x1x1x1024xi32> to vector<1x1024xi32>
    %swap3A_35 = vector.shape_cast %broadcast_in_dim3A_24 : vector<1x1024xi32> to vector<1x1x1x1024xi32>
    tpu.vector_store %arg4[%swap3A, %swap3A_30, %swap3A_31, %swap3A_32], %swap3A_35 {strides = array<i32>} : memref<1x1x1x2048xi32, #tpu.memory_space<vmem>>, vector<1x1x1x1024xi32>,
    %add3A_36 = arith.constant 0.000000e+00 : f32
    %add3A_37 = arith.addf %add3A_36, %reduce_sum3A_29 : f32
    %get3A_38 = arith.constant 0 : index
    %get3A_39 = arith.constant 0 : index
    %get3A_40 = arith.constant 1024 : index
    %get3A_41 = vector.load %arg2[%get3A_38, %get3A_39, %get3A_40] : memref<1x64x2048xf32, #tpu.memory_space<vmem>>, vector<1x64x1024xf32>
    %get3A_42 = vector.shape_cast %get3A_41 : vector<1x64x1024xf32> to vector<64x1024xf32>
    %dot_general3A_43 = arith.constant dense<0.000000e+00> : vector<1024x1024xf32>
    %dot_general3A_44 = tpu.matmul %get3A_1, %get3A_42, %dot_general3A_43 {dimension_numbers = #tpu.dot_dimension_numbers<[1], [0], [0], [1], [0, 0, 1, 1], [], []>, transpose_lhs_hint = false} : vector<1024x64xf32>, vector<64x1024xf32>, vector<1024x1024xf32> -> vector<1024x1024xf32>
    %mul3A_45 = arith.mulf %get3A_1, %get3A_1 : vector<1024x64xf32>
    %reduce_sum3A_46 = arith.constant dense<0.000000e+00> : vector<1024xf32>
    %reduce_sum3A_47 = vector.multi_reduction <add>, %mul3A_45, %reduce_sum3A_46 [1] : vector<1024x64xf32> to vector<1024xf32>
    %broadcast_in_dim3A_48 = vector.shape_cast %reduce_sum3A_47 : vector<1024xf32> to vector<1024x1xf32>
    %mul3A_49 = arith.mulf %get3A_42, %get3A_42 : vector<64x1024xf32>
    %reduce_sum3A_50 = arith.constant dense<0.000000e+00> : vector<1024xf32>
    %reduce_sum3A_51 = vector.multi_reduction <add>, %mul3A_49, %reduce_sum3A_50 [0] : vector<64x1024xf32> to vector<1024xf32>
    %broadcast_in_dim3A_52 = vector.shape_cast %reduce_sum3A_51 : vector<1024xf32> to vector<1x1024xf32>
    %mul3A_53 = arith.constant 2.000000e+00 : f32
    %mul3A_54 = vector.broadcast %mul3A_53 : f32 to vector<1024x1024xf32>
    %mul3A_55 = arith.mulf %mul3A_54, %dot_general3A_44 : vector<1024x1024xf32>
    %sub3A_56 = vector.broadcast %broadcast_in_dim3A_52 : vector<1x1024xf32> to vector<1024x1024xf32>
    %sub3A_57 = arith.subf %sub3A_56, %mul3A_55 : vector<1024x1024xf32>
    %add3A_58 = vector.broadcast %broadcast_in_dim3A_48 : vector<1024x1xf32> to vector<1024x1024xf32>
    %add3A_59 = arith.addf %sub3A_57, %add3A_58 : vector<1024x1024xf32>
    %reduce_min3A_60 = arith.constant dense<0x7F800000> : vector<1024xf32>
    %reduce_min3A_61 = vector.multi_reduction <minimumf>, %add3A_59, %reduce_min3A_60 [0] : vector<1024x1024xf32> to vector<1024xf32>
    %broadcast_in_dim3A_62 = vector.shape_cast %reduce_min3A_61 : vector<1024xf32> to vector<1x1024xf32>
    %iota3A_63 = tpu.iota {dimensions = array<i32: 0>} : vector<1024x1024xi32>
    %eq3A_64 = vector.broadcast %broadcast_in_dim3A_62 : vector<1x1024xf32> to vector<1024x1024xf32>
    %eq3A_65 = arith.cmpf oeq, %add3A_59, %eq3A_64 : vector<1024x1024xf32>
    %jit3A_66 = arith.constant 1024 : i32
    %broadcast_in_dim3A_67 = vector.broadcast %jit3A_66 : i32 to vector<1024x1024xi32>
    %select_n3A_68 = arith.select %eq3A_65, %iota3A_63, %broadcast_in_dim3A_67 : vector<1024x1024xi1>, vector<1024x1024xi32>
    %reduce_min3A_69 = arith.constant dense<2147483647> : vector<1024xi32>
    %reduce_min3A_70 = vector.multi_reduction <minsi>, %select_n3A_68, %reduce_min3A_69 [0] : vector<1024x1024xi32> to vector<1024xi32>
    %broadcast_in_dim3A_71 = vector.shape_cast %reduce_min3A_70 : vector<1024xi32> to vector<1x1024xi32>
    %reduce_sum3A_72 = vector.shape_cast %broadcast_in_dim3A_62 : vector<1x1024xf32> to vector<1x1x1024xf32>
    %reduce_sum3A_73 = arith.constant dense<0.000000e+00> : vector<1xf32>
    %reduce_sum3A_74 = vector.multi_reduction <add>, %reduce_sum3A_72, %reduce_sum3A_73 [1, 2] : vector<1x1x1024xf32> to vector<1xf32>
    %reduce_sum3A_75 = vector.shape_cast %reduce_sum3A_74 : vector<1xf32> to vector<1x1x1xf32>
    %reduce_sum3A_76 = vector.extract %reduce_sum3A_75[0, 0, 0] : f32 from vector<1x1x1xf32>
    %swap3A_77 = arith.constant 0 : index
    %swap3A_78 = arith.constant 0 : index
    %swap3A_79 = arith.constant 0 : index
    %swap3A_80 = arith.constant 1024 : index
    %swap3A_81 = vector.load %arg4[%swap3A_77, %swap3A_78, %swap3A_79, %swap3A_80] : memref<1x1x1x2048xi32, #tpu.memory_space<vmem>>, vector<1x1x1x1024xi32>
    %swap3A_82 = vector.shape_cast %swap3A_81 : vector<1x1x1x1024xi32> to vector<1x1024xi32>
    %swap3A_83 = vector.shape_cast %broadcast_in_dim3A_71 : vector<1x1024xi32> to vector<1x1x1x1024xi32>
    tpu.vector_store %arg4[%swap3A_77, %swap3A_78, %swap3A_79, %swap3A_80], %swap3A_83 {strides = array<i32>} : memref<1x1x1x2048xi32, #tpu.memory_space<vmem>>, vector<1x1x1x1024xi32>,
    %add3A_84 = arith.addf %add3A_37, %reduce_sum3A_76 : f32
    %eq3A_85 = arith.constant 0 : i32
    %eq3A_86 = arith.cmpi eq, %arg0, %eq3A_85 : i32
    %eq3A_87 = arith.constant 0 : i32
    %eq3A_88 = arith.cmpi eq, %arg1, %eq3A_87 : i32
    %and3A = arith.andi %eq3A_86, %eq3A_88 : i1
    %convert_element_type3A = arith.extui %and3A : i1 to i32
    %cond3A = arith.constant 0 : i32
    %cond3A_89 = arith.cmpi ne, %convert_element_type3A, %cond3A : i32
    scf.if %cond3A_89 {
      %swap3A_97 = arith.constant 0.000000e+00 : f32
      %swap3A_98 = arith.constant 0 : index
      %swap3A_99 = arith.constant 0 : index
      %swap3A_100 = memref.load %arg5[%swap3A_98, %swap3A_99] : memref<1x1xf32, #tpu.memory_space<smem>>
      memref.store %swap3A_97, %arg5[%swap3A_98, %swap3A_99] : memref<1x1xf32, #tpu.memory_space<smem>>
    } else {
    }
    %get3A_90 = arith.constant 0 : index
    %get3A_91 = arith.constant 0 : index
    %get3A_92 = memref.load %arg5[%get3A_90, %get3A_91] : memref<1x1xf32, #tpu.memory_space<smem>>
    %add3A_93 = arith.addf %get3A_92, %add3A_84 : f32
    %swap3A_94 = arith.constant 0 : index
    %swap3A_95 = arith.constant 0 : index
    %swap3A_96 = memref.load %arg5[%swap3A_94, %swap3A_95] : memref<1x1xf32, #tpu.memory_space<smem>>
    memref.store %add3A_93, %arg5[%swap3A_94, %swap3A_95] : memref<1x1xf32, #tpu.memory_space<smem>>
    return
  }
  func.func @transform_0(%arg0: i32, %arg1: i32) -> (i32, i32, i32) {
    %c0_i32 = arith.constant 0 : i32
    %c0_i32_0 = arith.constant 0 : i32
    return %arg0, %c0_i32, %arg1 : i32, i32, i32
  }
  func.func @transform_1(%arg0: i32, %arg1: i32) -> (i32, i32) {
    %c0_i32 = arith.constant 0 : i32
    %c0_i32_0 = arith.constant 0 : i32
    %c0_i32_1 = arith.constant 0 : i32
    return %c0_i32, %c0_i32_0 : i32, i32
  }
  func.func @transform_2(%arg0: i32, %arg1: i32) -> (i32, i32, i32, i32) {
    %c0_i32 = arith.constant 0 : i32
    %c0_i32_0 = arith.constant 0 : i32
    %c0_i32_1 = arith.constant 0 : i32
    return %arg0, %arg1, %c0_i32, %c0_i32_0 : i32, i32, i32, i32
  }
  func.func @transform_3(%arg0: i32, %arg1: i32) -> (i32, i32) {
    %c0_i32 = arith.constant 0 : i32
    %c0_i32_0 = arith.constant 0 : i32
    %c0_i32_1 = arith.constant 0 : i32
    return %c0_i32, %c0_i32_0 : i32, i32
  }
}

</mosaic_0001>

<sc_bundles>
// kernel: _vq.4.cloned.1.call-start
scs
__scs_entry_jumppad:
0x0: {  	(pc) =	sbr.rel $0x88, $3  }
0x1: {  	(tag) =	ssettag $0x0;
	lr =	simm.s32 $0x1  }
0x2: {  	[smem:$0x3F9F] =	sst lr;
	_ =	strace $0xD0000000  }
0x3: {  	_ = 	snop  }
0x4: {  	_ = 	snop  }
0x5: {  	_ = 	snop  }
0x6: {  	_ = 	snop  }
0x7: {  	_ = 	snop  }
__scs_overlays_trampoline_lowered:
0x8: {  	[smem:$0x3FAE] =	sst s0  }
0x9: {  	[smem:$0x3FAF] =	sst s1  }
0xa: {  	[smem:$0x3FB0] =	sst s2  }
0xb: {  	[smem:$0x3FB1] =	sst s3  }
0xc: {  	[smem:$0x3FB2] =	sst s4  }
0xd: {  	[smem:$0x3FB3] =	sst s5  }
0xe: {  	[smem:$0x3FB4] =	sst s6  }
0xf: {  	[smem:$0x3FB5] =	sst s7  }
0x10: {  	[smem:$0x3FB6] =	sst s8  }
0x11: {  	[smem:$0x3FB7] =	sst s9;
	s0 =	simm.s32 @!p0 $0x0  }
0x12: {  	s1 =	sld [smem:$0x3F9D];
	s0 =	simm.s32 @p0 $0x1  }
0x13: {  	[smem:$0x3FB8] =	sst s0;
	s0 =	simm.s32 @!p1 $0x0  }
0x14: {  	s2 =	sld [smem:$0x3F9C];
	s0 =	simm.s32 @p1 $0x1  }
0x15: {  	[smem:$0x3FB9] =	sst s0;
	s0 =	simm.s32 @!p2 $0x0  }
0x16: {  	s3 =	sld [smem:$0x3FDB];
	s0 =	simm.s32 @p2 $0x1  }
0x17: {  	s4 =	simm.s32 $0x1BF5;
	[smem:$0x3FBB] =	sst s0  }
0x18: {  	s0 =	sld [smem:$0x3F9E];
	_ =	swait.ge [sflag:s4], $0x0  }
0x19: {  	s7 =	sld [smem:$0x3F9F]  }
0x1a: {  	s8 =	sadd.s32 $0xFFFFE003, lr  }
0x1b: {  	s9 =	sadd.s32 $0xFFFFFEF7, lr;
	s5 =	simm.s32 $0xFFFFFFFF;
	p2 =	slt.u32 s8, $0xFFFFF086  }
0x1c: {  	p1 =	slt.u32 s9, $0xF7A;
	s5 =	simm.s32 @!p2 $0x0  }
0x1d: {  	s5 =	simm.s32 @p1 $0x1;
	p0 =	seq.s32 s7, s2  }
0x1e: {  	s7 =	smul.u32 @!p0 $0xF7A, s2;
	p2 =	seq.s32 @!p0 s5, $0x0  }
0x1f: {  	s9 =	smul.u32 $0xF7A, s1;
	s8 =	simm.s32 @!p0 $0x1BF5;
	p2 =	por !p2, p0  }
0x20: {  	[sflag:s8] =	ssyncset.s32 @!p0 $0xFFFFF086;
	s6 =	sadd.s32 @!p0 s3, s7;
	s7 =	simm.s32 @!p0 $0x108  }
0x21: {  	s3 =	sadd.s32 s3, s9;
	s6 =	sadd.s32 @!p0 $0x88, s6;
	s7 =	simm.s32 @p2 $0x1082  }
0x22: {  	[simem:s7], [sflag:s8] =	dma.local @!p0 [hbm:s6], $0xF7A  }
0x23: {  	s9 =	sor.u32 $0xD0000000, s2;
	s6 =	simm.s32 $0x108;
	_ =	swait.ge @!p0 [sflag:s8], $0x0  }
0x24: {  	s3 =	sadd.s32 $0x88, s3;
	s6 =	simm.s32 @!p1 $0x1082;
	[sflag:s4] =	ssyncset.s32 $0xFFFFF086  }
0x25: {  	[simem:s6], [sflag:s4] =	dma.local [hbm:s3], $0xF7A  }
0x26: {  	[smem:$0x3F9F] =	sst s1;
	(tag) =	ssettag s2;
	_ =	strace s9  }
0x27: {  	s1 =	sld [smem:$0x3FAF]  }
0x28: {  	s2 =	sld [smem:$0x3FB0]  }
0x29: {  	s4 =	sld [smem:$0x3FB2]  }
0x2a: {  	p0 =	seq.s32 s5, $0x0;
	s5 =	sld [smem:$0x3FB3]  }
0x2b: {  	s6 =	sld [smem:$0x3FB4]  }
0x2c: {  	s7 =	sld [smem:$0x3FB5]  }
0x2d: {  	s3 =	simm.s32 $0x108;
	s8 =	sld [smem:$0x3FB6]  }
0x2e: {  	s3 =	simm.s32 @!p0 $0x1082;
	s9 =	sld [smem:$0x3FB7]  }
0x2f: {  	lr =	sadd.s32 s0, s3;
	s0 =	sld [smem:$0x3FAE]  }
0x30: {  	s3 =	sld [smem:$0x3FB1]  }
0x31: {  	[smem:$0x3FBA] =	sst s10  }
0x32: {  	s10 =	sld [smem:$0x3FB8];
	_ =	sdelay $0x3  }
0x33: {  	p0 =	seq.s32 s10, $0x1;
	s10 =	sld [smem:$0x3FBA];
	_ =	sdelay $0x3  }
0x34: {  	[smem:$0x3FBA] =	sst s10  }
0x35: {  	s10 =	sld [smem:$0x3FB9];
	_ =	sdelay $0x3  }
0x36: {  	p1 =	seq.s32 s10, $0x1;
	s10 =	sld [smem:$0x3FBA];
	_ =	sdelay $0x3  }
0x37: {  	[smem:$0x3FBA] =	sst s10  }
0x38: {  	s10 =	sld [smem:$0x3FBB]  }
0x39: {  	_ = 	snop;
	(pc) =	sbr.ind lr, $3  }
0x3a: {  	_ = 	snop  }
0x3b: {  	_ = 	snop  }
0x3c: {  	p2 =	seq.s32 s10, $0x1;
	s10 =	sld [smem:$0x3FBA]  }
0x3d: {  	_ =	shalt  }
0x3e: {  	_ =	shalt  }
0x3f: {  	_ =	shalt  }
0x40: {  	_ =	shalt  }
0x41: {  	_ =	shalt  }
0x42: {  	_ =	shalt  }
0x43: {  	_ =	shalt  }
0x44: {  	_ =	shalt  }
0x45: {  	_ =	shalt  }
0x46: {  	_ =	shalt  }
0x47: {  	_ =	shalt  }
0x48: {  	_ =	shalt  }
0x49: {  	_ =	shalt  }
0x4a: {  	_ =	shalt  }
0x4b: {  	_ =	shalt  }
0x4c: {  	_ =	shalt  }
0x4d: {  	_ =	shalt  }
0x4e: {  	_ =	shalt  }
0x4f: {  	_ =	shalt  }
0x50: {  	_ =	shalt  }
0x51: {  	_ =	shalt  }
0x52: {  	_ =	shalt  }
0x53: {  	_ =	shalt  }
0x54: {  	_ =	shalt  }
0x55: {  	_ =	shalt  }
0x56: {  	_ =	shalt  }
0x57: {  	_ =	shalt  }
0x58: {  	_ =	shalt  }
0x59: {  	_ =	shalt  }
0x5a: {  	_ =	shalt  }
0x5b: {  	_ =	shalt  }
0x5c: {  	_ =	shalt  }
0x5d: {  	_ =	shalt  }
0x5e: {  	_ =	shalt  }
0x5f: {  	_ =	shalt  }
0x60: {  	_ =	shalt  }
0x61: {  	_ =	shalt  }
0x62: {  	_ =	shalt  }
0x63: {  	_ =	shalt  }
0x64: {  	_ =	shalt  }
0x65: {  	_ =	shalt  }
0x66: {  	_ =	shalt  }
0x67: {  	_ =	shalt  }
0x68: {  	_ =	shalt  }
0x69: {  	_ =	shalt  }
0x6a: {  	_ =	shalt  }
0x6b: {  	_ =	shalt  }
0x6c: {  	_ =	shalt  }
0x6d: {  	_ =	shalt  }
0x6e: {  	_ =	shalt  }
0x6f: {  	_ =	shalt  }
0x70: {  	_ =	shalt  }
0x71: {  	_ =	shalt  }
0x72: {  	_ =	shalt  }
0x73: {  	_ =	shalt  }
0x74: {  	_ =	shalt  }
0x75: {  	_ =	shalt  }
0x76: {  	_ =	shalt  }
0x77: {  	_ =	shalt  }
0x78: {  	_ =	shalt  }
0x79: {  	_ =	shalt  }
0x7a: {  	_ =	shalt  }
0x7b: {  	_ =	shalt  }
0x7c: {  	_ =	shalt  }
0x7d: {  	_ =	shalt  }
0x7e: {  	_ =	shalt  }
0x7f: {  	_ =	shalt  }
0x80: {  	_ =	shalt  }
0x81: {  	_ =	shalt  }
0x82: {  	_ =	shalt  }
0x83: {  	_ =	shalt  }
0x84: {  	_ =	shalt  }
0x85: {  	_ =	shalt  }
0x86: {  	_ =	shalt  }
0x87: {  	_ =	shalt  }
.Lfunc_end0:
.L_simem_size_0:
called_computation_lowered:
.L_overlay_start_0:
0x88: {  	s2 =	sld [smem:$0x3FD9]  }
0x89: {  	s3 =	sld [smem:$0x3FFE];
	_ =	sdelay $0x1  }
0x8a: {  	s1 =	srdreg.scid  }
0x8b: {  	s0 =	sand.u32 $0x1, s1  }
0x8c: {  	s14 =	sshll.u32 s0, $0xA;
	s2 =	sadd.s32 s3, s2  }
0x8d: {  	s2 =	sadd.s32 s2, s14  }
0x8e: {  	[smem:$0x3FC6] =	sst s2  }
0x8f: {  	_ = 	snop  }
0x90: {  	s2 =	sld [smem:$0x3FD0];
	_ =	sdelay $0x2  }
0x91: {  	s15 =	simm.s32 $0xA;
	s4 =	simm.s32 $0x10  }
0x92: {  	[smem:s4], [sflag:s15] =	dma.local [hbm:s2], $0x1  }
0x93: {  	_ =	swait.eq [sflag:s15], $0x1  }
0x94: {  	[sflag:s15] =	ssyncset.done $0x0  }
0x95: {  	[sflag:s15] =	ssyncadd.s32 $0xFFFFFFFF  }
0x96: {  	s16 =	sld [smem:$0x10];
	(tm) =	ssettm $0x1  }
0x97: {  	s17 =	sld [smem:$0x3FFB];
	_ =	sdelay $0x3  }
0x98: {  	_ =	strace s17  }
0x99: {  	s3 =	sld [smem:$0x3FFC];
	_ =	sdelay $0x3  }
0x9a: {  	_ =	strace s3  }
0x9b: {  	s3 =	sld [smem:$0x3FFD];
	_ =	sdelay $0x3  }
0x9c: {  	_ =	strace s3  }
0x9d: {  	_ =	strace $0x8FFFFFFF  }
0x9e: {  	s18 =	sld [smem:$0x3FDB];
	_ =	sdelay $0x1  }
0x9f: {  	s19 =	simm.s32 $_scs_section_size  }
0xa0: {  	s5 =	simm.s32 $_size__tile_overlayer_lowered;
	s6 =	simm.s32 $_tile_overlayer_lowered  }
0xa1: {  	s22 =	simm.s32 $0x1BFF;
	s21 =	sshll.u32 s6, $0x1;
	s3 =	sadd.s32 s19, s18  }
0xa2: {  	s7 =	simm.s32 $0x0;
	s20 =	sshll.u32 s5, $0x1;
	s5 =	sadd.s32 s21, s3  }
0xa3: {  	[timem:s7], [sflag:s22] =	dma.local [hbm:s5], s20  }
0xa4: {  	_ =	swait.ge [sflag:s22], s20  }
0xa5: {  	s4 =	ssub.s32 $0x0, s20;
	[sflag:s22] =	ssyncset.done $0x0  }
0xa6: {  	[sflag:s22] =	ssyncadd.s32 s4;
	_ =	sdelay $0x1  }
0xa7: {  	s23 =	simm.s32 $0x1B8B  }
0xa8: {  	_ =	swait.ge [sflag:s23], $0x1  }
0xa9: {  	[sflag:s23] =	ssyncset.done $0x0  }
0xaa: {  	s25 =	simm.s32 $0x1B8E;
	s24 =	sld [smem:$0x3FFE];
	[sflag:s23] =	ssyncadd.s32 $0xFFFFFFFF  }
0xab: {  	s26 =	simm.s32 $execute0_lowered;
	[smem:$0x3FD2] =	sst s25  }
0xac: {  	s5 =	sshll.u32 s26, $0x1;
	_ =	strace $0x80000046;
	[dreg:$0x1] =	wrdreg $0xFFFFFFFF  }
0xad: {  	s28 =	simm.s32 $_size_execute0_lowered;
	s3 =	sadd.s32 s3, s5;
	[dreg:$0x0] =	wrdreg $0x0  }
0xae: {  	s5 =	sshll.u32 s28, $0x1;
	[dreg:$0x2] =	wrdreg s3  }
0xaf: {  	[dreg:$0x3] =	wrdreg s5  }
0xb0: {  	[dreg:$0x4] =	wrdreg $0xC0  }
0xb1: {  	_ =	task [dreg:s7], $0x5FFFF  }
0xb2: {  	[dreg:$0x1] =	wrdreg $0xFFFFFFFF  }
0xb3: {  	[dreg:$0x0] =	wrdreg $0x60  }
0xb4: {  	[dreg:$0x2] =	wrdreg s16  }
0xb5: {  	[dreg:$0x3] =	wrdreg s24  }
0xb6: {  	[dreg:$0x4] =	wrdreg $0x9  }
0xb7: {  	_ =	task.clear_ibuf [dreg:s7], $0x5FFFF;
	_ =	strace $0x90000046  }
0xb8: {  	s29 =	simm.s32 $0x9;
	_ =	strace $0x80000048  }
0xb9: {  	_ =	swait.ge [sflag:s29], $0x1  }
0xba: {  	[sflag:s29] =	ssyncadd.s32 $0xFFFFFFFF  }
0xbb: {  	_ =	strace $0x90000048  }
0xbc: {  	_ =	sfence  }
0xbd: {  	s30 =	sld [smem:$0x0];
	_ =	sdelay $0x2  }
0xbe: {  	s31 =	sshll.u32 s1, $0xD;
	s1 =	sshrl.u32 s1, $0x2  }
0xbf: {  	s3 =	sand.u32 $0x4000, s31;
	s1 =	sadd.s32 s1, s30  }
0xc0: {  	s0 =	sor.u32 s3, s0;
	s1 =	sshll.u32 s1, $0x11  }
0xc1: {  	s0 =	sor.u32 s1, s0  }
0xc2: {  	s0 =	sadd.s32 $0x8F2B, s0  }
0xc3: {  	[sflag:s0] =	ssyncadd.remote.s32 $0x1  }
0xc4: {  	_ =	sfence.sel $0xFFFF  }
0xc5: {  	[dreg:$0x0] =	wrdreg $0xFFFFFFFF;
	(pc) =	sbr.abs _section_cstart, $3  }
0xc6: {  	[dreg:$0x1] =	wrdreg $0xFFFFFFFF  }
0xc7: {  	_ =	task.clear_ibuf [dreg:s7], $0x2FFFF;
	_ =	strace $0x9FFFFFFF  }
0xc8: {  	(tm) =	ssettm $0x7FFFFFFF  }
0xc9: {  	_ =	shalt  }
tec
execute0_lowered:
.L_overlay_start_1:
0x0: {  	(tag) =	ssettag $0x1  }
0x1: {  	s1 =	srdreg.scid  }
0x2: {  	s2 =	rddreg [dreg:$0x0];
	s0 =	stileid.u32;
	s14 =	sand.u32 $0x1, s1  }
0x3: {  	s8 =	rddreg [dreg:$0x1];
	s4 =	sshll.u32 s0, $0xC;
	s5 =	sshll.u32 s14, $0xB  }
0x4: {  	s3 =	simm.s32 $0x0;
	s1 =	rddreg [dreg:$0x2];
	s13 =	sor.u32 s5, s4  }
0x5: {  	[smem:$0x7FF] =	sst s3;
	s15 =	sadd.s32 $0x600, s8;
	s4 =	sshrl.u32 s13, $0x3  }
0x6: {  	_ =	strace $0x80000047;
	s5 =	sadd.s32 s15, s4;
	s4 =	simm.s32 $0x2  }
0x7: {  	[tilespmem:s3], [sflag:$0x2] =	stream.linear.gather [hbm4b:s5+s3], $0x200, $0x38;
	[tilespmem:$0x10200] =	vst v63  }
0x8: {  	_ =	swait.ge [sflag:s4], $0x200  }
0x9: {  	[sflag:s4] =	ssyncset.done $0x0  }
0xa: {  	s6 =	simm.s32 $0x200;
	s7 =	simm.s32 $0x1;
	[sflag:s4] =	ssyncadd.s32 $0xFFFFFE00  }
0xb: {  	[tilespmem:s6], [sflag:$0x1] =	stream.indirect.gather [hbm4b:s2+s6], $0x80, s3, s6, $0xb8;
	[tilespmem:$0x10200] =	vst v63  }
0xc: {  	_ =	swait.ge [sflag:s7], $0x10000  }
0xd: {  	s16 =	sadd.s32 $0x2600, s8;
	s29 =	sshll.u32 s13, $0x4;
	[sflag:s7] =	ssyncset.done $0x0  }
0xe: {  	s8 =	sadd.s32 s16, s29;
	[sflag:s7] =	ssyncadd.s32 $0xFFFF0000  }
0xf: {  	[hbm4b:s8+s3] =	stream.linear.scatter [tilespmem:s6], [sflag:$0x2], $0x10000, $0x38;
	[tilespmem:$0x10200] =	vst v63  }
0x10: {  	s10 =	sor.u32 $0x200, s13;
	_ =	swait.ge [sflag:s4], $0x10000  }
0x11: {  	s9 =	sshrl.u32 s10, $0x3;
	[sflag:s4] =	ssyncset.done $0x0  }
0x12: {  	s9 =	sadd.s32 s15, s9;
	[sflag:s4] =	ssyncadd.s32 $0xFFFF0000  }
0x13: {  	[tilespmem:s3], [sflag:$0x2] =	stream.linear.gather [hbm4b:s9+s3], $0x200, $0x38;
	[tilespmem:$0x10200] =	vst v63  }
0x14: {  	_ =	swait.ge [sflag:s4], $0x200  }
0x15: {  	[sflag:s4] =	ssyncset.done $0x0  }
0x16: {  	[sflag:s4] =	ssyncadd.s32 $0xFFFFFE00  }
0x17: {  	[tilespmem:s6], [sflag:$0x1] =	stream.indirect.gather [hbm4b:s2+s6], $0x80, s3, s6, $0xb8;
	[tilespmem:$0x10200] =	vst v63  }
0x18: {  	_ =	swait.ge [sflag:s7], $0x10000  }
0x19: {  	s10 =	sshll.u32 s10, $0x4;
	[sflag:s7] =	ssyncset.done $0x0  }
0x1a: {  	s10 =	sadd.s32 s16, s10;
	[sflag:s7] =	ssyncadd.s32 $0xFFFF0000  }
0x1b: {  	[hbm4b:s10+s3] =	stream.linear.scatter [tilespmem:s6], [sflag:$0x2], $0x10000, $0x38;
	[tilespmem:$0x10200] =	vst v63  }
0x1c: {  	s12 =	sor.u32 $0x400, s13;
	_ =	swait.ge [sflag:s4], $0x10000  }
0x1d: {  	s11 =	sshrl.u32 s12, $0x3;
	[sflag:s4] =	ssyncset.done $0x0  }
0x1e: {  	s11 =	sadd.s32 s15, s11;
	[sflag:s4] =	ssyncadd.s32 $0xFFFF0000  }
0x1f: {  	[tilespmem:s3], [sflag:$0x2] =	stream.linear.gather [hbm4b:s11+s3], $0x200, $0x38;
	[tilespmem:$0x10200] =	vst v63  }
0x20: {  	_ =	swait.ge [sflag:s4], $0x200  }
0x21: {  	[sflag:s4] =	ssyncset.done $0x0  }
0x22: {  	[sflag:s4] =	ssyncadd.s32 $0xFFFFFE00  }
0x23: {  	[tilespmem:s6], [sflag:$0x1] =	stream.indirect.gather [hbm4b:s2+s6], $0x80, s3, s6, $0xb8;
	[tilespmem:$0x10200] =	vst v63  }
0x24: {  	_ =	swait.ge [sflag:s7], $0x10000  }
0x25: {  	s12 =	sshll.u32 s12, $0x4;
	[sflag:s7] =	ssyncset.done $0x0  }
0x26: {  	s12 =	sadd.s32 s16, s12;
	[sflag:s7] =	ssyncadd.s32 $0xFFFF0000  }
0x27: {  	[hbm4b:s12+s3] =	stream.linear.scatter [tilespmem:s6], [sflag:$0x2], $0x10000, $0x38;
	[tilespmem:$0x10200] =	vst v63  }
0x28: {  	s17 =	sor.u32 $0x600, s13;
	_ =	swait.ge [sflag:s4], $0x10000  }
0x29: {  	s13 =	sshrl.u32 s17, $0x3;
	[sflag:s4] =	ssyncset.done $0x0  }
0x2a: {  	s14 =	ssub.s32 $0x2, s14;
	s13 =	sadd.s32 s15, s13;
	[sflag:s4] =	ssyncadd.s32 $0xFFFF0000  }
0x2b: {  	[tilespmem:s3], [sflag:$0x2] =	stream.linear.gather [hbm4b:s13+s3], $0x200, $0x38;
	[tilespmem:$0x10200] =	vst v63  }
0x2c: {  	s30 =	sshrl.u32 s14, $0x1;
	_ =	swait.ge [sflag:s4], $0x200  }
0x2d: {  	s15 =	ssub.s32 s14, s30;
	[sflag:s4] =	ssyncset.done $0x0  }
0x2e: {  	s15 =	smax.u32 s15, $0x1;
	[sflag:s4] =	ssyncadd.s32 $0xFFFFFE00  }
0x2f: {  	[tilespmem:s6], [sflag:$0x1] =	stream.indirect.gather [hbm4b:s2+s6], $0x80, s3, s6, $0xb8;
	[tilespmem:$0x10200] =	vst v63  }
0x30: {  	p0 =	sne.s32 s15, $0x1;
	_ =	swait.ge [sflag:s7], $0x10000  }
.Ltmp0:
0x31: {  	s31 =	sshll.u32 s17, $0x4;
	[sflag:s7] =	ssyncset.done $0x0;
	(pc) =	sbr.rel @!p0 .LBB2_2-.Ltmp0, $4  }
0x32: {  	s14 =	sadd.s32 s16, s31;
	[sflag:s7] =	ssyncadd.s32 $0xFFFF0000  }
0x33: {  	[hbm4b:s14+s3] =	stream.linear.scatter [tilespmem:s6], [sflag:$0x2], $0x10000, $0x38;
	[tilespmem:$0x10200] =	vst v63  }
0x34: {  	_ =	swait.ge [sflag:s4], $0x10000  }
0x35: {  	s15 =	sadd.s32 $0xFFFFFFFF, s15;
	[sflag:s4] =	ssyncset.done $0x0  }
.LBB2_1:
0x36: {  	p0 =	sne.s32 s15, $0x1;
	s15 =	sadd.s32 $0xFFFFFFFF, s15;
	[sflag:s4] =	ssyncadd.s32 $0xFFFF0000  }
0x37: {  	[tilespmem:s3], [sflag:$0x2] =	stream.linear.gather [hbm4b:s5+s3], $0x200, $0x38;
	[tilespmem:$0x10200] =	vst v63  }
0x38: {  	_ =	swait.ge [sflag:s4], $0x200  }
0x39: {  	[sflag:s4] =	ssyncset.done $0x0  }
0x3a: {  	[sflag:s4] =	ssyncadd.s32 $0xFFFFFE00  }
0x3b: {  	[tilespmem:s6], [sflag:$0x1] =	stream.indirect.gather [hbm4b:s2+s6], $0x80, s3, s6, $0xb8;
	[tilespmem:$0x10200] =	vst v63  }
0x3c: {  	_ =	swait.ge [sflag:s7], $0x10000  }
0x3d: {  	[sflag:s7] =	ssyncset.done $0x0  }
0x3e: {  	[sflag:s7] =	ssyncadd.s32 $0xFFFF0000  }
0x3f: {  	[hbm4b:s8+s3] =	stream.linear.scatter [tilespmem:s6], [sflag:$0x2], $0x10000, $0x38;
	[tilespmem:$0x10200] =	vst v63  }
0x40: {  	_ =	swait.ge [sflag:s4], $0x10000  }
0x41: {  	[sflag:s4] =	ssyncset.done $0x0  }
0x42: {  	[sflag:s4] =	ssyncadd.s32 $0xFFFF0000  }
0x43: {  	[tilespmem:s3], [sflag:$0x2] =	stream.linear.gather [hbm4b:s9+s3], $0x200, $0x38;
	[tilespmem:$0x10200] =	vst v63  }
0x44: {  	_ =	swait.ge [sflag:s4], $0x200  }
0x45: {  	[sflag:s4] =	ssyncset.done $0x0  }
0x46: {  	[sflag:s4] =	ssyncadd.s32 $0xFFFFFE00  }
0x47: {  	[tilespmem:s6], [sflag:$0x1] =	stream.indirect.gather [hbm4b:s2+s6], $0x80, s3, s6, $0xb8;
	[tilespmem:$0x10200] =	vst v63  }
0x48: {  	_ =	swait.ge [sflag:s7], $0x10000  }
0x49: {  	[sflag:s7] =	ssyncset.done $0x0  }
0x4a: {  	[sflag:s7] =	ssyncadd.s32 $0xFFFF0000  }
0x4b: {  	[hbm4b:s10+s3] =	stream.linear.scatter [tilespmem:s6], [sflag:$0x2], $0x10000, $0x38;
	[tilespmem:$0x10200] =	vst v63  }
0x4c: {  	_ =	swait.ge [sflag:s4], $0x10000  }
0x4d: {  	[sflag:s4] =	ssyncset.done $0x0  }
0x4e: {  	[sflag:s4] =	ssyncadd.s32 $0xFFFF0000  }
0x4f: {  	[tilespmem:s3], [sflag:$0x2] =	stream.linear.gather [hbm4b:s11+s3], $0x200, $0x38;
	[tilespmem:$0x10200] =	vst v63  }
0x50: {  	_ =	swait.ge [sflag:s4], $0x200  }
0x51: {  	[sflag:s4] =	ssyncset.done $0x0  }
0x52: {  	[sflag:s4] =	ssyncadd.s32 $0xFFFFFE00  }
0x53: {  	[tilespmem:s6], [sflag:$0x1] =	stream.indirect.gather [hbm4b:s2+s6], $0x80, s3, s6, $0xb8;
	[tilespmem:$0x10200] =	vst v63  }
0x54: {  	_ =	swait.ge [sflag:s7], $0x10000  }
0x55: {  	[sflag:s7] =	ssyncset.done $0x0  }
0x56: {  	[sflag:s7] =	ssyncadd.s32 $0xFFFF0000  }
0x57: {  	[hbm4b:s12+s3] =	stream.linear.scatter [tilespmem:s6], [sflag:$0x2], $0x10000, $0x38;
	[tilespmem:$0x10200] =	vst v63  }
0x58: {  	_ =	swait.ge [sflag:s4], $0x10000  }
0x59: {  	[sflag:s4] =	ssyncset.done $0x0  }
0x5a: {  	[sflag:s4] =	ssyncadd.s32 $0xFFFF0000  }
0x5b: {  	[tilespmem:s3], [sflag:$0x2] =	stream.linear.gather [hbm4b:s13+s3], $0x200, $0x38;
	[tilespmem:$0x10200] =	vst v63  }
0x5c: {  	_ =	swait.ge [sflag:s4], $0x200  }
0x5d: {  	[sflag:s4] =	ssyncset.done $0x0  }
0x5e: {  	[sflag:s4] =	ssyncadd.s32 $0xFFFFFE00  }
0x5f: {  	[tilespmem:s6], [sflag:$0x1] =	stream.indirect.gather [hbm4b:s2+s6], $0x80, s3, s6, $0xb8;
	[tilespmem:$0x10200] =	vst v63  }
0x60: {  	_ =	swait.ge [sflag:s7], $0x10000  }
.Ltmp1:
0x61: {  	[sflag:s7] =	ssyncset.done $0x0;
	(pc) =	sbr.rel @p0 .LBB2_1-.Ltmp1, $4  }
0x62: {  	[sflag:s7] =	ssyncadd.s32 $0xFFFF0000  }
0x63: {  	[hbm4b:s14+s3] =	stream.linear.scatter [tilespmem:s6], [sflag:$0x2], $0x10000, $0x38;
	[tilespmem:$0x10200] =	vst v63  }
0x64: {  	_ =	swait.ge [sflag:s4], $0x10000  }
0x65: {  	[sflag:s4] =	ssyncset.done $0x0  }
.LBB2_2:
0x66: {  	[sflag:s4] =	ssyncadd.s32 $0xFFFF0000  }
0x67: {  	_ =	sfence.sel $0x180000  }
0x68: {  	[bflag:$0x0] =	sbarrier.arrive $0xFFFF  }
0x69: {  	p0 =	sne.s32 s0, $0x0;
	_ =	strace $0x90000047  }
0x6a: {  	s0 =	sadd.s32 @!p0 $0x100000, s1;
	[bflag:$0x2] =	sbarrier.arrive $0xFFFF  }
0x6b: {  	[sflag:s0] =	ssyncadd.tile.s32 @!p0 $0x1;
	_ =	shalt  }
.Lfunc_end2:
_tile_overlayer_lowered:
.L_overlay_start_2:
0x6c: {  	(tag) =	ssettag $0x2  }
0x6d: {  	s0 =	rddreg [dreg:$0x0];
	s2 =	stileid.u32  }
0x6e: {  	s1 =	rddreg [dreg:$0x1];
	p0 =	sne.s32 s2, $0x0  }
0x6f: {  	s3 =	rddreg [dreg:$0x2];
	[bflag:$0x3] =	sbarrier.arrive $0xFFFF;
	s2 =	simm.s32 @!p0 $0x1C02  }
0x70: {  	[timem:s3], [sflag:s2] =	dma.local @!p0 [hbm:s0], s1  }
0x71: {  	s0 =	simm.s32 @!p0 $0x2  }
0x72: {  	_ =	swait.ge @!p0 [sflag:s0], s1  }
0x73: {  	s1 =	ssub.s32 @!p0 $0x0, s1;
	[sflag:s0] =	ssyncset.done @!p0 $0x0  }
0x74: {  	[sflag:s0] =	ssyncadd.s32 @!p0 s1  }
0x75: {  	[bflag:$0x3] =	sbarrier.arrive $0xFFFF  }
0x76: {  	_ =	shalt  }

</sc_bundles>
